<compile_context>
chip_gen: v7x
topology: tpu7x:2x2x1
jax: 0.10.2.dev20260603
libtpu: 0.0.44.dev20260713+nightly
codegen_flags: <defaults>
</compile_context>

<pallas_src>
import functools

import jax
import jax.numpy as jnp
from jax import lax
from jax.experimental import pallas as pl
from jax.experimental.pallas import tpu as pltpu
from jax.experimental.pallas import tpu_sc as plsc

VOCAB = 49408
EMBED = 512
CTX = 77
N_COMP = 1000
N_HEAD = 4

CTX_PAD = 80
ROWS_PER_WORKER = 8
N_WORKERS_USED = CTX_PAD // ROWS_PER_WORKER

BC = 40


def _make_sc_gather():
    mesh = plsc.VectorSubcoreMesh(core_axis_name="c", subcore_axis_name="s")
    info = plsc.get_sparse_core_info()
    num_cores = info.num_cores

    @functools.partial(
        pl.kernel,
        mesh=mesh,
        out_type=jax.ShapeDtypeStruct((CTX_PAD, EMBED), jnp.float32),
        scratch_types=[
            pltpu.VMEM((ROWS_PER_WORKER,), jnp.int32),
            pltpu.VMEM((ROWS_PER_WORKER, EMBED), jnp.float32),
            pltpu.SemaphoreType.DMA,
        ],
    )
    def gather_kernel(table_hbm, idx_hbm, out_hbm, idx_v, rows_v, sem):
        wid = lax.axis_index("s") * num_cores + lax.axis_index("c")

        @pl.when(wid < N_WORKERS_USED)
        def _():
            base = wid * ROWS_PER_WORKER
            pltpu.sync_copy(idx_hbm.at[pl.ds(base, ROWS_PER_WORKER)], idx_v)
            pltpu.async_copy(table_hbm.at[idx_v], rows_v, sem).wait()
            pltpu.sync_copy(rows_v, out_hbm.at[pl.ds(base, ROWS_PER_WORKER)])

    return gather_kernel


NBUF = 8
BC2 = 8
NSTEPS = N_COMP // BC2


def _tc_body(rows_ref, prompt_ref, pos_ref, comp_ref, out_ref,
             buf, base_scratch, sem):
    i = pl.program_id(0)
    slot = lax.rem(i, NBUF)

    @pl.when(i == 0)
    def _():
        pos = pos_ref[0]
        rows = rows_ref[...][:CTX]
        base = rows + pos
        head = prompt_ref[...] + pos[1:N_HEAD + 1]
        base_scratch[...] = jnp.concatenate(
            [base[0:1], head, base[N_HEAD + 1:]], axis=0)

    @pl.when(i < NBUF)
    def _():
        buf[slot] = jnp.broadcast_to(base_scratch[...], (BC2, CTX, EMBED))

    @pl.when(i >= NBUF)
    def _():
        pltpu.make_async_copy(
            buf.at[slot],
            out_ref.at[pl.ds((i - NBUF) * BC2, BC2)],
            sem.at[slot],
        ).wait()

    comp_rows = comp_ref[pl.ds(i * BC2, BC2), 0, :]
    buf[slot, :, N_HEAD + 1:N_HEAD + 2, :] = (
        comp_rows + pos_ref[0, N_HEAD + 1, :])[:, None, :]

    pltpu.make_async_copy(
        buf.at[slot],
        out_ref.at[pl.ds(i * BC2, BC2)],
        sem.at[slot],
    ).start()

    @pl.when(i == NSTEPS - 1)
    def _():
        for s in range(NSTEPS - NBUF, NSTEPS):
            pltpu.make_async_copy(
                buf.at[s % NBUF],
                out_ref.at[pl.ds(s * BC2, BC2)],
                sem.at[s % NBUF],
            ).wait()


def _broadcast(rows, prompt, comp, pos):
    return pl.pallas_call(
        _tc_body,
        grid=(NSTEPS,),
        in_specs=[
            pl.BlockSpec((CTX_PAD, EMBED), lambda i: (0, 0)),
            pl.BlockSpec((N_HEAD, EMBED), lambda i: (0, 0)),
            pl.BlockSpec((1, CTX, EMBED), lambda i: (0, 0, 0)),
            pl.BlockSpec((N_COMP, 1, EMBED), lambda i: (0, 0, 0)),
        ],
        out_specs=pl.BlockSpec(memory_space=pl.ANY),
        out_shape=jax.ShapeDtypeStruct((N_COMP, CTX, EMBED), jnp.float32),
        scratch_shapes=[
            pltpu.VMEM((NBUF, BC2, CTX, EMBED), jnp.float32),
            pltpu.VMEM((CTX, EMBED), jnp.float32),
            pltpu.SemaphoreType.DMA((NBUF,)),
        ],
    )(rows, prompt, pos, comp)


def kernel(token_table, prompt_vectors_head, comp_embedding, positional_embedding, token_ids):
    ids = token_ids.astype(jnp.int32)
    ids_pad = jnp.zeros((CTX_PAD,), jnp.int32).at[:CTX].set(ids)
    rows = _make_sc_gather()(token_table, ids_pad)
    return _broadcast(rows, prompt_vectors_head, comp_embedding,
                      positional_embedding)

# --- scband reference (transcript-rebuilt; emitter-appended) ---
"""Pipeline reference for scband-component-prompt-learner-32744830665008 (READ-ONLY COPY).

The authoritative reference and input builder live on the scoring server;
editing this copy changes nothing except your own understanding.
"""

import jax, jax.numpy as jnp
import numpy as np

VOCAB = 49408
EMBED = 512
CTX = 77
N_COMP = 1000
N_HEAD = 4


def setup_inputs(seed: int = 0) -> dict:
    key = jax.random.key(seed)
    k1, k2, k3, k4, k5 = jax.random.split(key, 5)
    token_table = jax.random.normal(k1, (VOCAB, EMBED), dtype=jnp.float32) * 0.02
    prompt_vectors_head = jax.random.normal(k2, (N_HEAD, EMBED), dtype=jnp.float32) * 0.02
    comp_embedding = jax.random.normal(k3, (N_COMP, 1, EMBED), dtype=jnp.float32) * 0.02
    positional_embedding = jax.random.normal(k4, (1, CTX, EMBED), dtype=jnp.float32) * 0.01
    token_ids = jax.random.randint(k5, (CTX,), 0, VOCAB, dtype=jnp.int64)
    return {
        'token_table': token_table,
        'prompt_vectors_head': prompt_vectors_head,
        'comp_embedding': comp_embedding,
        'positional_embedding': positional_embedding,
        'token_ids': token_ids,
    }


def reference(token_table, prompt_vectors_head, comp_embedding, positional_embedding, token_ids):
    # this_comp / this_idx = uniq_attrs = arange(N_COMP) for comp == 'verb'
    n_comp = comp_embedding.shape[0]
    n_head = prompt_vectors_head.shape[0]
    # class_token_ids = token_ids.repeat(len(this_comp), 1)
    class_token_ids = jnp.tile(token_ids[None, :], (n_comp, 1))  # [n_comp, CTX]
    # token_tensor = self.token_embedding(class_token_ids)
    token_tensor = jnp.take(token_table, class_token_ids, axis=0)  # [n_comp, CTX, EMBED]
    # token_tensor[:, 1:n_head+1] = prompt_vectors_head
    token_tensor = token_tensor.at[:, 1:n_head + 1, :].set(
        jnp.broadcast_to(prompt_vectors_head[None, :, :], (n_comp, n_head, token_table.shape[1])))
    # token_tensor[:, n_head+1:n_head+2] = comp_embedding[this_idx]  (this_idx = arange -> identity)
    token_tensor = token_tensor.at[:, n_head + 1:n_head + 2, :].set(comp_embedding)
    # return token_tensor + positional_embedding
    return token_tensor + positional_embedding


if False:  # reference __main__ guard neutralized (emitter)
    out = reference(**setup_inputs())
    print(out.shape, out.dtype)

if __name__ == "__main__":
    import jax
    _d = setup_inputs()
    print(jax.jit(kernel)(*tuple(_d.values())))

</pallas_src>

<mosaic_0001>
#map = affine_map<(d0, d1) -> (0, 0)>
#map1 = affine_map<(d0, d1) -> (0)>
module attributes {stable_mosaic.version = 14 : i64} {
  func.func @gather_kernel(%arg0: i32, %arg1: i32, %arg2: memref<49408x512xf32, #tpu.memory_space<hbm>>, %arg3: memref<80xi32, #tpu.memory_space<hbm>>, %arg4: memref<80x512xf32, #tpu.memory_space<hbm>>, %arg5: memref<8xi32, #tpu.memory_space<vmem>>, %arg6: memref<8x512xf32, #tpu.memory_space<vmem>>, %arg7: memref<!tpu.dma_semaphore, #tpu.memory_space<semaphore_mem>>) attributes {dimension_semantics = [#tpu.dimension_semantics<core_parallel>, #tpu.dimension_semantics<subcore_parallel>], iteration_bounds = array<i64: 2, 16>, scalar_prefetch = 0 : i64, scratch_operands = 3 : i64, tpu.core_type = #tpu.core_type<sc_vector_subcore>, window_params = [{transform_indices = #map}, {transform_indices = #map1}, {transform_indices = #map}]} {
    %mul3A = arith.constant 2 : i32
    %mul3A_0 = arith.muli %arg1, %mul3A : i32
    %add3A = arith.addi %mul3A_0, %arg0 : i32
    %lt3A = arith.constant 10 : i32
    %lt3A_1 = arith.cmpi slt, %add3A, %lt3A : i32
    %convert_element_type3A = arith.extui %lt3A_1 : i1 to i32
    %cond3A = arith.constant 0 : i32
    %cond3A_2 = arith.cmpi ne, %convert_element_type3A, %cond3A : i32
    scf.if %cond3A_2 {
      %mul3A_3 = arith.constant 8 : i32
      %mul3A_4 = arith.muli %add3A, %mul3A_3 : i32
      "tpu.region"() ({
        %run_scoped3A = tpu.sem_alloc : memref<!tpu.dma_semaphore, #tpu.memory_space<semaphore_mem>>
        %dma_start3A_9 = tpu.memref_slice %arg3[%mul3A_4] : memref<80xi32, #tpu.memory_space<hbm>> -> memref<8xi32, #tpu.memory_space<hbm>>
        %dma_start3A_10 = tpu.memref_slice %arg3[%mul3A_4] : memref<80xi32, #tpu.memory_space<hbm>> -> memref<8xi32, #tpu.memory_space<hbm>>
        tpu.enqueue_dma source(%dma_start3A_10 : memref<8xi32, #tpu.memory_space<hbm>>) target(%arg5 : memref<8xi32, #tpu.memory_space<vmem>>) target_semaphore(%run_scoped3A : memref<!tpu.dma_semaphore, #tpu.memory_space<semaphore_mem>>)
        %dma_wait3A_11 = tpu.memref_slice %arg3[%mul3A_4] : memref<80xi32, #tpu.memory_space<hbm>> -> memref<8xi32, #tpu.memory_space<hbm>>
        %dma_wait3A_12 = tpu.memref_slice %arg3[%mul3A_4] : memref<80xi32, #tpu.memory_space<hbm>> -> memref<8xi32, #tpu.memory_space<hbm>>
        tpu.wait_dma2 semaphore(%run_scoped3A : memref<!tpu.dma_semaphore, #tpu.memory_space<semaphore_mem>>) src(%dma_wait3A_12 : memref<8xi32, #tpu.memory_space<hbm>>) dst(%arg5 : memref<8xi32, #tpu.memory_space<vmem>>)
        tpu.yield
      }) : () -> ()
      %dma_start3A = arith.constant 0 : i32
      %dma_start3A_5 = arith.constant 0 : i32
      %dma_start3A_6 = tpu.memref_slice %arg2[%dma_start3A, %dma_start3A_5] : memref<49408x512xf32, #tpu.memory_space<hbm>> -> memref<49408x512xf32, #tpu.memory_space<hbm>>
      tpu.enqueue_indirect_dma source(%dma_start3A_6 : memref<49408x512xf32, #tpu.memory_space<hbm>>) target(%arg6 : memref<8x512xf32, #tpu.memory_space<vmem>>) offsets(%arg5 : memref<8xi32, #tpu.memory_space<vmem>>) semaphore(%arg7 : memref<!tpu.dma_semaphore, #tpu.memory_space<semaphore_mem>>)
      %dma_wait3A = arith.constant 0 : i32
      %dma_wait3A_7 = arith.constant 0 : i32
      %dma_wait3A_8 = tpu.memref_slice %arg2[%dma_wait3A, %dma_wait3A_7] : memref<49408x512xf32, #tpu.memory_space<hbm>> -> memref<49408x512xf32, #tpu.memory_space<hbm>>
      tpu.wait_indirect_dma semaphore(%arg7 : memref<!tpu.dma_semaphore, #tpu.memory_space<semaphore_mem>>) src(%dma_wait3A_8 : memref<49408x512xf32, #tpu.memory_space<hbm>>) dst(%arg6 : memref<8x512xf32, #tpu.memory_space<vmem>>)
      "tpu.region"() ({
        %run_scoped3A = tpu.sem_alloc : memref<!tpu.dma_semaphore, #tpu.memory_space<semaphore_mem>>
        %dma_start3A_9 = arith.constant 0 : i32
        %dma_start3A_10 = tpu.memref_slice %arg4[%mul3A_4, %dma_start3A_9] : memref<80x512xf32, #tpu.memory_space<hbm>> -> memref<8x512xf32, #tpu.memory_space<hbm>>
        %dma_start3A_11 = arith.constant 0 : i32
        %dma_start3A_12 = tpu.memref_slice %arg4[%mul3A_4, %dma_start3A_11] : memref<80x512xf32, #tpu.memory_space<hbm>> -> memref<8x512xf32, #tpu.memory_space<hbm>>
        tpu.enqueue_dma source(%arg6 : memref<8x512xf32, #tpu.memory_space<vmem>>) target(%dma_start3A_12 : memref<8x512xf32, #tpu.memory_space<hbm>>) target_semaphore(%run_scoped3A : memref<!tpu.dma_semaphore, #tpu.memory_space<semaphore_mem>>)
        %dma_wait3A_13 = arith.constant 0 : i32
        %dma_wait3A_14 = tpu.memref_slice %arg4[%mul3A_4, %dma_wait3A_13] : memref<80x512xf32, #tpu.memory_space<hbm>> -> memref<8x512xf32, #tpu.memory_space<hbm>>
        %dma_wait3A_15 = arith.constant 0 : i32
        %dma_wait3A_16 = tpu.memref_slice %arg4[%mul3A_4, %dma_wait3A_15] : memref<80x512xf32, #tpu.memory_space<hbm>> -> memref<8x512xf32, #tpu.memory_space<hbm>>
        tpu.wait_dma2 semaphore(%run_scoped3A : memref<!tpu.dma_semaphore, #tpu.memory_space<semaphore_mem>>) src(%arg6 : memref<8x512xf32, #tpu.memory_space<vmem>>) dst(%dma_wait3A_16 : memref<8x512xf32, #tpu.memory_space<hbm>>)
        tpu.yield
      }) : () -> ()
    } else {
    }
    return
  }
}

module attributes {stable_mosaic.version = 14 : i64} {
  func.func @_tc_body(%arg0: i32, %arg1: memref<80x512xf32, #tpu.memory_space<vmem>>, %arg2: memref<4x512xf32, #tpu.memory_space<vmem>>, %arg3: memref<1x77x512xf32, #tpu.memory_space<vmem>>, %arg4: memref<1000x1x512xf32, #tpu.memory_space<vmem>>, %arg5: memref<1000x77x512xf32, #tpu.memory_space<any>>, %arg6: memref<8x8x77x512xf32, #tpu.memory_space<vmem>>, %arg7: memref<77x512xf32, #tpu.memory_space<vmem>>, %arg8: memref<8x!tpu.dma_semaphore, #tpu.memory_space<semaphore_mem>>) attributes {dimension_semantics = [#tpu.dimension_semantics<arbitrary>], iteration_bounds = array<i64: 125>, scalar_prefetch = 0 : i64, scratch_operands = 3 : i64, tpu.core_type = #tpu.core_type<tc>, window_params = [{pipeline_mode = #tpu.pipeline_mode<synchronous>, transform_indices = @transform_0, window_bounds = array<i64: 80, 512>}, {pipeline_mode = #tpu.pipeline_mode<synchronous>, transform_indices = @transform_1, window_bounds = array<i64: 4, 512>}, {pipeline_mode = #tpu.pipeline_mode<synchronous>, transform_indices = @transform_2, window_bounds = array<i64: 1, 77, 512>}, {pipeline_mode = #tpu.pipeline_mode<synchronous>, transform_indices = @transform_3, window_bounds = array<i64: 1000, 1, 512>}, {}]} {
    %rem3A = arith.constant 8 : i32
    %rem3A_0 = arith.remsi %arg0, %rem3A : i32
    %eq3A = arith.constant 0 : i32
    %eq3A_1 = arith.cmpi eq, %arg0, %eq3A : i32
    %convert_element_type3A = arith.extui %eq3A_1 : i1 to i32
    %cond3A = arith.constant 0 : i32
    %cond3A_2 = arith.cmpi ne, %convert_element_type3A, %cond3A : i32
    scf.if %cond3A_2 {
      %get3A_45 = arith.constant 0 : index
      %get3A_46 = arith.constant 0 : index
      %get3A_47 = arith.constant 0 : index
      %get3A_48 = vector.load %arg3[%get3A_45, %get3A_46, %get3A_47] : memref<1x77x512xf32, #tpu.memory_space<vmem>>, vector<1x77x512xf32>
      %get3A_49 = vector.shape_cast %get3A_48 : vector<1x77x512xf32> to vector<77x512xf32>
      %get3A_50 = arith.constant 0 : index
      %get3A_51 = arith.constant 0 : index
      %get3A_52 = vector.load %arg1[%get3A_50, %get3A_51] : memref<80x512xf32, #tpu.memory_space<vmem>>, vector<80x512xf32>
      %slice3A = vector.extract_strided_slice %get3A_52 {offsets = [0, 0], sizes = [77, 512], strides = [1, 1]} : vector<80x512xf32> to vector<77x512xf32>
      %add3A_53 = arith.addf %slice3A, %get3A_49 : vector<77x512xf32>
      %get3A_54 = arith.constant 0 : index
      %get3A_55 = arith.constant 0 : index
      %get3A_56 = vector.load %arg2[%get3A_54, %get3A_55] : memref<4x512xf32, #tpu.memory_space<vmem>>, vector<4x512xf32>
      %slice3A_57 = vector.extract_strided_slice %get3A_49 {offsets = [1, 0], sizes = [4, 512], strides = [1, 1]} : vector<77x512xf32> to vector<4x512xf32>
      %add3A_58 = arith.addf %get3A_56, %slice3A_57 : vector<4x512xf32>
      %slice3A_59 = vector.extract_strided_slice %add3A_53 {offsets = [0, 0], sizes = [1, 512], strides = [1, 1]} : vector<77x512xf32> to vector<1x512xf32>
      %slice3A_60 = vector.extract_strided_slice %add3A_53 {offsets = [5, 0], sizes = [72, 512], strides = [1, 1]} : vector<77x512xf32> to vector<72x512xf32>
      %concatenate3A = tpu.concatenate %slice3A_59, %add3A_58, %slice3A_60 in 0 : vector<1x512xf32>, vector<4x512xf32>, vector<72x512xf32> -> vector<77x512xf32>
      %swap3A_61 = arith.constant 0 : index
      %swap3A_62 = arith.constant 0 : index
      %swap3A_63 = vector.load %arg7[%swap3A_61, %swap3A_62] : memref<77x512xf32, #tpu.memory_space<vmem>>, vector<77x512xf32>
      tpu.vector_store %arg7[%swap3A_61, %swap3A_62], %concatenate3A {strides = array<i32>} : memref<77x512xf32, #tpu.memory_space<vmem>>, vector<77x512xf32>,
    } else {
    }
    %lt3A = arith.constant 8 : i32
    %lt3A_3 = arith.cmpi slt, %arg0, %lt3A : i32
    %convert_element_type3A_4 = arith.extui %lt3A_3 : i1 to i32
    %cond3A_5 = arith.constant 0 : i32
    %cond3A_6 = arith.cmpi ne, %convert_element_type3A_4, %cond3A_5 : i32
    scf.if %cond3A_6 {
      %get3A_45 = arith.constant 0 : index
      %get3A_46 = arith.constant 0 : index
      %get3A_47 = vector.load %arg7[%get3A_45, %get3A_46] : memref<77x512xf32, #tpu.memory_space<vmem>>, vector<77x512xf32>
      %broadcast_in_dim3A_48 = vector.shape_cast %get3A_47 : vector<77x512xf32> to vector<1x77x512xf32>
      %broadcast_in_dim3A_49 = vector.broadcast %broadcast_in_dim3A_48 : vector<1x77x512xf32> to vector<8x77x512xf32>
      %swap3A_50 = arith.index_cast %rem3A_0 : i32 to index
      %swap3A_51 = arith.constant 0 : index
      %swap3A_52 = arith.constant 0 : index
      %swap3A_53 = arith.constant 0 : index
      %swap3A_54 = vector.load %arg6[%swap3A_50, %swap3A_51, %swap3A_52, %swap3A_53] : memref<8x8x77x512xf32, #tpu.memory_space<vmem>>, vector<1x8x77x512xf32>
      %swap3A_55 = vector.shape_cast %swap3A_54 : vector<1x8x77x512xf32> to vector<8x77x512xf32>
      %swap3A_56 = vector.shape_cast %broadcast_in_dim3A_49 : vector<8x77x512xf32> to vector<1x8x77x512xf32>
      tpu.vector_store %arg6[%swap3A_50, %swap3A_51, %swap3A_52, %swap3A_53], %swap3A_56 {strides = array<i32>} : memref<8x8x77x512xf32, #tpu.memory_space<vmem>>, vector<1x8x77x512xf32>,
    } else {
    }
    %ge3A = arith.constant 8 : i32
    %ge3A_7 = arith.cmpi sge, %arg0, %ge3A : i32
    %convert_element_type3A_8 = arith.extui %ge3A_7 : i1 to i32
    %cond3A_9 = arith.constant 0 : i32
    %cond3A_10 = arith.cmpi ne, %convert_element_type3A_8, %cond3A_9 : i32
    scf.if %cond3A_10 {
      %sub3A = arith.constant 8 : i32
      %sub3A_45 = arith.subi %arg0, %sub3A : i32
      %mul3A_46 = arith.constant 8 : i32
      %mul3A_47 = arith.muli %sub3A_45, %mul3A_46 : i32
      %dma_wait3A = tpu.memref_slice %arg8[%rem3A_0] : memref<8x!tpu.dma_semaphore, #tpu.memory_space<semaphore_mem>> -> memref<1x!tpu.dma_semaphore, #tpu.memory_space<semaphore_mem>>
      %dma_wait3A_48 = tpu.memref_squeeze %dma_wait3A : memref<1x!tpu.dma_semaphore, #tpu.memory_space<semaphore_mem>> -> memref<!tpu.dma_semaphore, #tpu.memory_space<semaphore_mem>>
      %dma_wait3A_49 = arith.constant 0 : i32
      %dma_wait3A_50 = arith.constant 0 : i32
      %dma_wait3A_51 = tpu.memref_slice %arg5[%mul3A_47, %dma_wait3A_49, %dma_wait3A_50] : memref<1000x77x512xf32, #tpu.memory_space<any>> -> memref<8x77x512xf32, #tpu.memory_space<any>>
      %dma_wait3A_52 = arith.constant 0 : i32
      %dma_wait3A_53 = arith.constant 0 : i32
      %dma_wait3A_54 = arith.constant 0 : i32
      %dma_wait3A_55 = tpu.memref_slice %arg6[%rem3A_0, %dma_wait3A_52, %dma_wait3A_53, %dma_wait3A_54] : memref<8x8x77x512xf32, #tpu.memory_space<vmem>> -> memref<1x8x77x512xf32, #tpu.memory_space<vmem>>
      %dma_wait3A_56 = tpu.memref_squeeze %dma_wait3A_55 : memref<1x8x77x512xf32, #tpu.memory_space<vmem>> -> memref<8x77x512xf32, #tpu.memory_space<vmem>>
      tpu.wait_dma2 semaphore(%dma_wait3A_48 : memref<!tpu.dma_semaphore, #tpu.memory_space<semaphore_mem>>) src(%dma_wait3A_56 : memref<8x77x512xf32, #tpu.memory_space<vmem>>) dst(%dma_wait3A_51 : memref<8x77x512xf32, #tpu.memory_space<any>>)
    } else {
    }
    %mul3A = arith.constant 8 : i32
    %mul3A_11 = arith.muli %arg0, %mul3A : i32
    %get3A = arith.index_cast %mul3A_11 : i32 to index
    %get3A_12 = arith.constant 0 : index
    %get3A_13 = arith.constant 0 : index
    %get3A_14 = vector.load %arg4[%get3A, %get3A_12, %get3A_13] : memref<1000x1x512xf32, #tpu.memory_space<vmem>>, vector<8x1x512xf32>
    %get3A_15 = vector.shape_cast %get3A_14 : vector<8x1x512xf32> to vector<8x512xf32>
    %get3A_16 = arith.constant 0 : index
    %get3A_17 = arith.constant 5 : index
    %get3A_18 = arith.constant 0 : index
    %get3A_19 = vector.load %arg3[%get3A_16, %get3A_17, %get3A_18] : memref<1x77x512xf32, #tpu.memory_space<vmem>>, vector<1x1x512xf32>
    %get3A_20 = vector.shape_cast %get3A_19 : vector<1x1x512xf32> to vector<512xf32>
    %broadcast_in_dim3A = vector.shape_cast %get3A_20 : vector<512xf32> to vector<1x512xf32>
    %add3A = vector.broadcast %broadcast_in_dim3A : vector<1x512xf32> to vector<8x512xf32>
    %add3A_21 = arith.addf %get3A_15, %add3A : vector<8x512xf32>
    %broadcast_in_dim3A_22 = vector.shape_cast %add3A_21 : vector<8x512xf32> to vector<8x1x512xf32>
    %swap3A = arith.index_cast %rem3A_0 : i32 to index
    %swap3A_23 = arith.constant 0 : index
    %swap3A_24 = arith.constant 5 : index
    %swap3A_25 = arith.constant 0 : index
    %swap3A_26 = vector.load %arg6[%swap3A, %swap3A_23, %swap3A_24, %swap3A_25] : memref<8x8x77x512xf32, #tpu.memory_space<vmem>>, vector<1x8x1x512xf32>
    %swap3A_27 = vector.shape_cast %swap3A_26 : vector<1x8x1x512xf32> to vector<8x1x512xf32>
    %swap3A_28 = vector.shape_cast %broadcast_in_dim3A_22 : vector<8x1x512xf32> to vector<1x8x1x512xf32>
    tpu.vector_store %arg6[%swap3A, %swap3A_23, %swap3A_24, %swap3A_25], %swap3A_28 {strides = array<i32>} : memref<8x8x77x512xf32, #tpu.memory_space<vmem>>, vector<1x8x1x512xf32>,
    %mul3A_29 = arith.constant 8 : i32
    %mul3A_30 = arith.muli %arg0, %mul3A_29 : i32
    %dma_start3A = tpu.memref_slice %arg8[%rem3A_0] : memref<8x!tpu.dma_semaphore, #tpu.memory_space<semaphore_mem>> -> memref<1x!tpu.dma_semaphore, #tpu.memory_space<semaphore_mem>>
    %dma_start3A_31 = tpu.memref_squeeze %dma_start3A : memref<1x!tpu.dma_semaphore, #tpu.memory_space<semaphore_mem>> -> memref<!tpu.dma_semaphore, #tpu.memory_space<semaphore_mem>>
    %dma_start3A_32 = arith.constant 0 : i32
    %dma_start3A_33 = arith.constant 0 : i32
    %dma_start3A_34 = tpu.memref_slice %arg5[%mul3A_30, %dma_start3A_32, %dma_start3A_33] : memref<1000x77x512xf32, #tpu.memory_space<any>> -> memref<8x77x512xf32, #tpu.memory_space<any>>
    %dma_start3A_35 = arith.constant 0 : i32
    %dma_start3A_36 = arith.constant 0 : i32
    %dma_start3A_37 = arith.constant 0 : i32
    %dma_start3A_38 = tpu.memref_slice %arg6[%rem3A_0, %dma_start3A_35, %dma_start3A_36, %dma_start3A_37] : memref<8x8x77x512xf32, #tpu.memory_space<vmem>> -> memref<1x8x77x512xf32, #tpu.memory_space<vmem>>
    %dma_start3A_39 = tpu.memref_squeeze %dma_start3A_38 : memref<1x8x77x512xf32, #tpu.memory_space<vmem>> -> memref<8x77x512xf32, #tpu.memory_space<vmem>>
    tpu.enqueue_dma source(%dma_start3A_39 : memref<8x77x512xf32, #tpu.memory_space<vmem>>) target(%dma_start3A_34 : memref<8x77x512xf32, #tpu.memory_space<any>>) target_semaphore(%dma_start3A_31 : memref<!tpu.dma_semaphore, #tpu.memory_space<semaphore_mem>>)
    %eq3A_40 = arith.constant 124 : i32
    %eq3A_41 = arith.cmpi eq, %arg0, %eq3A_40 : i32
    %convert_element_type3A_42 = arith.extui %eq3A_41 : i1 to i32
    %cond3A_43 = arith.constant 0 : i32
    %cond3A_44 = arith.cmpi ne, %convert_element_type3A_42, %cond3A_43 : i32
    scf.if %cond3A_44 {
      %dma_wait3A = arith.constant 5 : i32
      %dma_wait3A_45 = arith.constant 5 : i32
      %dma_wait3A_46 = tpu.memref_slice %arg8[%dma_wait3A_45] : memref<8x!tpu.dma_semaphore, #tpu.memory_space<semaphore_mem>> -> memref<1x!tpu.dma_semaphore, #tpu.memory_space<semaphore_mem>>
      %dma_wait3A_47 = tpu.memref_squeeze %dma_wait3A_46 : memref<1x!tpu.dma_semaphore, #tpu.memory_space<semaphore_mem>> -> memref<!tpu.dma_semaphore, #tpu.memory_space<semaphore_mem>>
      %dma_wait3A_48 = arith.constant 936 : i32
      %dma_wait3A_49 = arith.constant 0 : i32
      %dma_wait3A_50 = arith.constant 0 : i32
      %dma_wait3A_51 = tpu.memref_slice %arg5[%dma_wait3A_48, %dma_wait3A_49, %dma_wait3A_50] : memref<1000x77x512xf32, #tpu.memory_space<any>> -> memref<8x77x512xf32, #tpu.memory_space<any>>
      %dma_wait3A_52 = arith.constant 0 : i32
      %dma_wait3A_53 = arith.constant 0 : i32
      %dma_wait3A_54 = arith.constant 0 : i32
      %dma_wait3A_55 = tpu.memref_slice %arg6[%dma_wait3A, %dma_wait3A_52, %dma_wait3A_53, %dma_wait3A_54] : memref<8x8x77x512xf32, #tpu.memory_space<vmem>> -> memref<1x8x77x512xf32, #tpu.memory_space<vmem>>
      %dma_wait3A_56 = tpu.memref_squeeze %dma_wait3A_55 : memref<1x8x77x512xf32, #tpu.memory_space<vmem>> -> memref<8x77x512xf32, #tpu.memory_space<vmem>>
      tpu.wait_dma2 semaphore(%dma_wait3A_47 : memref<!tpu.dma_semaphore, #tpu.memory_space<semaphore_mem>>) src(%dma_wait3A_56 : memref<8x77x512xf32, #tpu.memory_space<vmem>>) dst(%dma_wait3A_51 : memref<8x77x512xf32, #tpu.memory_space<any>>)
      %dma_wait3A_57 = arith.constant 6 : i32
      %dma_wait3A_58 = arith.constant 6 : i32
      %dma_wait3A_59 = tpu.memref_slice %arg8[%dma_wait3A_58] : memref<8x!tpu.dma_semaphore, #tpu.memory_space<semaphore_mem>> -> memref<1x!tpu.dma_semaphore, #tpu.memory_space<semaphore_mem>>
      %dma_wait3A_60 = tpu.memref_squeeze %dma_wait3A_59 : memref<1x!tpu.dma_semaphore, #tpu.memory_space<semaphore_mem>> -> memref<!tpu.dma_semaphore, #tpu.memory_space<semaphore_mem>>
      %dma_wait3A_61 = arith.constant 944 : i32
      %dma_wait3A_62 = arith.constant 0 : i32
      %dma_wait3A_63 = arith.constant 0 : i32
      %dma_wait3A_64 = tpu.memref_slice %arg5[%dma_wait3A_61, %dma_wait3A_62, %dma_wait3A_63] : memref<1000x77x512xf32, #tpu.memory_space<any>> -> memref<8x77x512xf32, #tpu.memory_space<any>>
      %dma_wait3A_65 = arith.constant 0 : i32
      %dma_wait3A_66 = arith.constant 0 : i32
      %dma_wait3A_67 = arith.constant 0 : i32
      %dma_wait3A_68 = tpu.memref_slice %arg6[%dma_wait3A_57, %dma_wait3A_65, %dma_wait3A_66, %dma_wait3A_67] : memref<8x8x77x512xf32, #tpu.memory_space<vmem>> -> memref<1x8x77x512xf32, #tpu.memory_space<vmem>>
      %dma_wait3A_69 = tpu.memref_squeeze %dma_wait3A_68 : memref<1x8x77x512xf32, #tpu.memory_space<vmem>> -> memref<8x77x512xf32, #tpu.memory_space<vmem>>
      tpu.wait_dma2 semaphore(%dma_wait3A_60 : memref<!tpu.dma_semaphore, #tpu.memory_space<semaphore_mem>>) src(%dma_wait3A_69 : memref<8x77x512xf32, #tpu.memory_space<vmem>>) dst(%dma_wait3A_64 : memref<8x77x512xf32, #tpu.memory_space<any>>)
      %dma_wait3A_70 = arith.constant 7 : i32
      %dma_wait3A_71 = arith.constant 7 : i32
      %dma_wait3A_72 = tpu.memref_slice %arg8[%dma_wait3A_71] : memref<8x!tpu.dma_semaphore, #tpu.memory_space<semaphore_mem>> -> memref<1x!tpu.dma_semaphore, #tpu.memory_space<semaphore_mem>>
      %dma_wait3A_73 = tpu.memref_squeeze %dma_wait3A_72 : memref<1x!tpu.dma_semaphore, #tpu.memory_space<semaphore_mem>> -> memref<!tpu.dma_semaphore, #tpu.memory_space<semaphore_mem>>
      %dma_wait3A_74 = arith.constant 952 : i32
      %dma_wait3A_75 = arith.constant 0 : i32
      %dma_wait3A_76 = arith.constant 0 : i32
      %dma_wait3A_77 = tpu.memref_slice %arg5[%dma_wait3A_74, %dma_wait3A_75, %dma_wait3A_76] : memref<1000x77x512xf32, #tpu.memory_space<any>> -> memref<8x77x512xf32, #tpu.memory_space<any>>
      %dma_wait3A_78 = arith.constant 0 : i32
      %dma_wait3A_79 = arith.constant 0 : i32
      %dma_wait3A_80 = arith.constant 0 : i32
      %dma_wait3A_81 = tpu.memref_slice %arg6[%dma_wait3A_70, %dma_wait3A_78, %dma_wait3A_79, %dma_wait3A_80] : memref<8x8x77x512xf32, #tpu.memory_space<vmem>> -> memref<1x8x77x512xf32, #tpu.memory_space<vmem>>
      %dma_wait3A_82 = tpu.memref_squeeze %dma_wait3A_81 : memref<1x8x77x512xf32, #tpu.memory_space<vmem>> -> memref<8x77x512xf32, #tpu.memory_space<vmem>>
      tpu.wait_dma2 semaphore(%dma_wait3A_73 : memref<!tpu.dma_semaphore, #tpu.memory_space<semaphore_mem>>) src(%dma_wait3A_82 : memref<8x77x512xf32, #tpu.memory_space<vmem>>) dst(%dma_wait3A_77 : memref<8x77x512xf32, #tpu.memory_space<any>>)
      %dma_wait3A_83 = arith.constant 0 : i32
      %dma_wait3A_84 = arith.constant 0 : i32
      %dma_wait3A_85 = tpu.memref_slice %arg8[%dma_wait3A_84] : memref<8x!tpu.dma_semaphore, #tpu.memory_space<semaphore_mem>> -> memref<1x!tpu.dma_semaphore, #tpu.memory_space<semaphore_mem>>
      %dma_wait3A_86 = tpu.memref_squeeze %dma_wait3A_85 : memref<1x!tpu.dma_semaphore, #tpu.memory_space<semaphore_mem>> -> memref<!tpu.dma_semaphore, #tpu.memory_space<semaphore_mem>>
      %dma_wait3A_87 = arith.constant 960 : i32
      %dma_wait3A_88 = arith.constant 0 : i32
      %dma_wait3A_89 = arith.constant 0 : i32
      %dma_wait3A_90 = tpu.memref_slice %arg5[%dma_wait3A_87, %dma_wait3A_88, %dma_wait3A_89] : memref<1000x77x512xf32, #tpu.memory_space<any>> -> memref<8x77x512xf32, #tpu.memory_space<any>>
      %dma_wait3A_91 = arith.constant 0 : i32
      %dma_wait3A_92 = arith.constant 0 : i32
      %dma_wait3A_93 = arith.constant 0 : i32
      %dma_wait3A_94 = tpu.memref_slice %arg6[%dma_wait3A_83, %dma_wait3A_91, %dma_wait3A_92, %dma_wait3A_93] : memref<8x8x77x512xf32, #tpu.memory_space<vmem>> -> memref<1x8x77x512xf32, #tpu.memory_space<vmem>>
      %dma_wait3A_95 = tpu.memref_squeeze %dma_wait3A_94 : memref<1x8x77x512xf32, #tpu.memory_space<vmem>> -> memref<8x77x512xf32, #tpu.memory_space<vmem>>
      tpu.wait_dma2 semaphore(%dma_wait3A_86 : memref<!tpu.dma_semaphore, #tpu.memory_space<semaphore_mem>>) src(%dma_wait3A_95 : memref<8x77x512xf32, #tpu.memory_space<vmem>>) dst(%dma_wait3A_90 : memref<8x77x512xf32, #tpu.memory_space<any>>)
      %dma_wait3A_96 = arith.constant 1 : i32
      %dma_wait3A_97 = arith.constant 1 : i32
      %dma_wait3A_98 = tpu.memref_slice %arg8[%dma_wait3A_97] : memref<8x!tpu.dma_semaphore, #tpu.memory_space<semaphore_mem>> -> memref<1x!tpu.dma_semaphore, #tpu.memory_space<semaphore_mem>>
      %dma_wait3A_99 = tpu.memref_squeeze %dma_wait3A_98 : memref<1x!tpu.dma_semaphore, #tpu.memory_space<semaphore_mem>> -> memref<!tpu.dma_semaphore, #tpu.memory_space<semaphore_mem>>
      %dma_wait3A_100 = arith.constant 968 : i32
      %dma_wait3A_101 = arith.constant 0 : i32
      %dma_wait3A_102 = arith.constant 0 : i32
      %dma_wait3A_103 = tpu.memref_slice %arg5[%dma_wait3A_100, %dma_wait3A_101, %dma_wait3A_102] : memref<1000x77x512xf32, #tpu.memory_space<any>> -> memref<8x77x512xf32, #tpu.memory_space<any>>
      %dma_wait3A_104 = arith.constant 0 : i32
      %dma_wait3A_105 = arith.constant 0 : i32
      %dma_wait3A_106 = arith.constant 0 : i32
      %dma_wait3A_107 = tpu.memref_slice %arg6[%dma_wait3A_96, %dma_wait3A_104, %dma_wait3A_105, %dma_wait3A_106] : memref<8x8x77x512xf32, #tpu.memory_space<vmem>> -> memref<1x8x77x512xf32, #tpu.memory_space<vmem>>
      %dma_wait3A_108 = tpu.memref_squeeze %dma_wait3A_107 : memref<1x8x77x512xf32, #tpu.memory_space<vmem>> -> memref<8x77x512xf32, #tpu.memory_space<vmem>>
      tpu.wait_dma2 semaphore(%dma_wait3A_99 : memref<!tpu.dma_semaphore, #tpu.memory_space<semaphore_mem>>) src(%dma_wait3A_108 : memref<8x77x512xf32, #tpu.memory_space<vmem>>) dst(%dma_wait3A_103 : memref<8x77x512xf32, #tpu.memory_space<any>>)
      %dma_wait3A_109 = arith.constant 2 : i32
      %dma_wait3A_110 = arith.constant 2 : i32
      %dma_wait3A_111 = tpu.memref_slice %arg8[%dma_wait3A_110] : memref<8x!tpu.dma_semaphore, #tpu.memory_space<semaphore_mem>> -> memref<1x!tpu.dma_semaphore, #tpu.memory_space<semaphore_mem>>
      %dma_wait3A_112 = tpu.memref_squeeze %dma_wait3A_111 : memref<1x!tpu.dma_semaphore, #tpu.memory_space<semaphore_mem>> -> memref<!tpu.dma_semaphore, #tpu.memory_space<semaphore_mem>>
      %dma_wait3A_113 = arith.constant 976 : i32
      %dma_wait3A_114 = arith.constant 0 : i32
      %dma_wait3A_115 = arith.constant 0 : i32
      %dma_wait3A_116 = tpu.memref_slice %arg5[%dma_wait3A_113, %dma_wait3A_114, %dma_wait3A_115] : memref<1000x77x512xf32, #tpu.memory_space<any>> -> memref<8x77x512xf32, #tpu.memory_space<any>>
      %dma_wait3A_117 = arith.constant 0 : i32
      %dma_wait3A_118 = arith.constant 0 : i32
      %dma_wait3A_119 = arith.constant 0 : i32
      %dma_wait3A_120 = tpu.memref_slice %arg6[%dma_wait3A_109, %dma_wait3A_117, %dma_wait3A_118, %dma_wait3A_119] : memref<8x8x77x512xf32, #tpu.memory_space<vmem>> -> memref<1x8x77x512xf32, #tpu.memory_space<vmem>>
      %dma_wait3A_121 = tpu.memref_squeeze %dma_wait3A_120 : memref<1x8x77x512xf32, #tpu.memory_space<vmem>> -> memref<8x77x512xf32, #tpu.memory_space<vmem>>
      tpu.wait_dma2 semaphore(%dma_wait3A_112 : memref<!tpu.dma_semaphore, #tpu.memory_space<semaphore_mem>>) src(%dma_wait3A_121 : memref<8x77x512xf32, #tpu.memory_space<vmem>>) dst(%dma_wait3A_116 : memref<8x77x512xf32, #tpu.memory_space<any>>)
      %dma_wait3A_122 = arith.constant 3 : i32
      %dma_wait3A_123 = arith.constant 3 : i32
      %dma_wait3A_124 = tpu.memref_slice %arg8[%dma_wait3A_123] : memref<8x!tpu.dma_semaphore, #tpu.memory_space<semaphore_mem>> -> memref<1x!tpu.dma_semaphore, #tpu.memory_space<semaphore_mem>>
      %dma_wait3A_125 = tpu.memref_squeeze %dma_wait3A_124 : memref<1x!tpu.dma_semaphore, #tpu.memory_space<semaphore_mem>> -> memref<!tpu.dma_semaphore, #tpu.memory_space<semaphore_mem>>
      %dma_wait3A_126 = arith.constant 984 : i32
      %dma_wait3A_127 = arith.constant 0 : i32
      %dma_wait3A_128 = arith.constant 0 : i32
      %dma_wait3A_129 = tpu.memref_slice %arg5[%dma_wait3A_126, %dma_wait3A_127, %dma_wait3A_128] : memref<1000x77x512xf32, #tpu.memory_space<any>> -> memref<8x77x512xf32, #tpu.memory_space<any>>
      %dma_wait3A_130 = arith.constant 0 : i32
      %dma_wait3A_131 = arith.constant 0 : i32
      %dma_wait3A_132 = arith.constant 0 : i32
      %dma_wait3A_133 = tpu.memref_slice %arg6[%dma_wait3A_122, %dma_wait3A_130, %dma_wait3A_131, %dma_wait3A_132] : memref<8x8x77x512xf32, #tpu.memory_space<vmem>> -> memref<1x8x77x512xf32, #tpu.memory_space<vmem>>
      %dma_wait3A_134 = tpu.memref_squeeze %dma_wait3A_133 : memref<1x8x77x512xf32, #tpu.memory_space<vmem>> -> memref<8x77x512xf32, #tpu.memory_space<vmem>>
      tpu.wait_dma2 semaphore(%dma_wait3A_125 : memref<!tpu.dma_semaphore, #tpu.memory_space<semaphore_mem>>) src(%dma_wait3A_134 : memref<8x77x512xf32, #tpu.memory_space<vmem>>) dst(%dma_wait3A_129 : memref<8x77x512xf32, #tpu.memory_space<any>>)
      %dma_wait3A_135 = arith.constant 4 : i32
      %dma_wait3A_136 = arith.constant 4 : i32
      %dma_wait3A_137 = tpu.memref_slice %arg8[%dma_wait3A_136] : memref<8x!tpu.dma_semaphore, #tpu.memory_space<semaphore_mem>> -> memref<1x!tpu.dma_semaphore, #tpu.memory_space<semaphore_mem>>
      %dma_wait3A_138 = tpu.memref_squeeze %dma_wait3A_137 : memref<1x!tpu.dma_semaphore, #tpu.memory_space<semaphore_mem>> -> memref<!tpu.dma_semaphore, #tpu.memory_space<semaphore_mem>>
      %dma_wait3A_139 = arith.constant 992 : i32
      %dma_wait3A_140 = arith.constant 0 : i32
      %dma_wait3A_141 = arith.constant 0 : i32
      %dma_wait3A_142 = tpu.memref_slice %arg5[%dma_wait3A_139, %dma_wait3A_140, %dma_wait3A_141] : memref<1000x77x512xf32, #tpu.memory_space<any>> -> memref<8x77x512xf32, #tpu.memory_space<any>>
      %dma_wait3A_143 = arith.constant 0 : i32
      %dma_wait3A_144 = arith.constant 0 : i32
      %dma_wait3A_145 = arith.constant 0 : i32
      %dma_wait3A_146 = tpu.memref_slice %arg6[%dma_wait3A_135, %dma_wait3A_143, %dma_wait3A_144, %dma_wait3A_145] : memref<8x8x77x512xf32, #tpu.memory_space<vmem>> -> memref<1x8x77x512xf32, #tpu.memory_space<vmem>>
      %dma_wait3A_147 = tpu.memref_squeeze %dma_wait3A_146 : memref<1x8x77x512xf32, #tpu.memory_space<vmem>> -> memref<8x77x512xf32, #tpu.memory_space<vmem>>
      tpu.wait_dma2 semaphore(%dma_wait3A_138 : memref<!tpu.dma_semaphore, #tpu.memory_space<semaphore_mem>>) src(%dma_wait3A_147 : memref<8x77x512xf32, #tpu.memory_space<vmem>>) dst(%dma_wait3A_142 : memref<8x77x512xf32, #tpu.memory_space<any>>)
    } else {
    }
    return
  }
  func.func @transform_0(%arg0: i32) -> (i32, i32) {
    %c0_i32 = arith.constant 0 : i32
    %c0_i32_0 = arith.constant 0 : i32
    %c0_i32_1 = arith.constant 0 : i32
    return %c0_i32, %c0_i32_0 : i32, i32
  }
  func.func @transform_1(%arg0: i32) -> (i32, i32) {
    %c0_i32 = arith.constant 0 : i32
    %c0_i32_0 = arith.constant 0 : i32
    %c0_i32_1 = arith.constant 0 : i32
    return %c0_i32, %c0_i32_0 : i32, i32
  }
  func.func @transform_2(%arg0: i32) -> (i32, i32, i32) {
    %c0_i32 = arith.constant 0 : i32
    %c0_i32_0 = arith.constant 0 : i32
    %c0_i32_1 = arith.constant 0 : i32
    %c0_i32_2 = arith.constant 0 : i32
    return %c0_i32, %c0_i32_0, %c0_i32_1 : i32, i32, i32
  }
  func.func @transform_3(%arg0: i32) -> (i32, i32, i32) {
    %c0_i32 = arith.constant 0 : i32
    %c0_i32_0 = arith.constant 0 : i32
    %c0_i32_1 = arith.constant 0 : i32
    %c0_i32_2 = arith.constant 0 : i32
    return %c0_i32, %c0_i32_0, %c0_i32_1 : i32, i32, i32
  }
}

</mosaic_0001>

<sc_bundles>
// kernel: kernel.4.cloned.1.call-start
scs
__scs_entry_jumppad:
0x0: {  	(pc) =	sbr.rel $0x88, $3  }
0x1: {  	(tag) =	ssettag $0x0;
	lr =	simm.s32 $0x1  }
0x2: {  	[smem:$0x3F9C] =	sst lr;
	_ =	strace $0xD0000000  }
0x3: {  	_ = 	snop  }
0x4: {  	_ = 	snop  }
0x5: {  	_ = 	snop  }
0x6: {  	_ = 	snop  }
0x7: {  	_ = 	snop  }
__scs_overlays_trampoline_lowered:
0x8: {  	[smem:$0x3FAB] =	sst s0  }
0x9: {  	[smem:$0x3FAC] =	sst s1  }
0xa: {  	[smem:$0x3FAD] =	sst s2  }
0xb: {  	[smem:$0x3FAE] =	sst s3  }
0xc: {  	[smem:$0x3FAF] =	sst s4  }
0xd: {  	[smem:$0x3FB0] =	sst s5  }
0xe: {  	[smem:$0x3FB1] =	sst s6  }
0xf: {  	[smem:$0x3FB2] =	sst s7  }
0x10: {  	[smem:$0x3FB3] =	sst s8  }
0x11: {  	[smem:$0x3FB4] =	sst s9;
	s0 =	simm.s32 @!p0 $0x0  }
0x12: {  	s1 =	sld [smem:$0x3F9A];
	s0 =	simm.s32 @p0 $0x1  }
0x13: {  	[smem:$0x3FB5] =	sst s0;
	s0 =	simm.s32 @!p1 $0x0  }
0x14: {  	s2 =	sld [smem:$0x3F99];
	s0 =	simm.s32 @p1 $0x1  }
0x15: {  	[smem:$0x3FB6] =	sst s0;
	s0 =	simm.s32 @!p2 $0x0  }
0x16: {  	s3 =	sld [smem:$0x3FDB];
	s0 =	simm.s32 @p2 $0x1  }
0x17: {  	s4 =	simm.s32 $0x1BF5;
	[smem:$0x3FB8] =	sst s0  }
0x18: {  	s0 =	sld [smem:$0x3F9B];
	_ =	swait.ge [sflag:s4], $0x0  }
0x19: {  	s7 =	sld [smem:$0x3F9C]  }
0x1a: {  	s8 =	sadd.s32 $0xFFFFE003, lr  }
0x1b: {  	s9 =	sadd.s32 $0xFFFFFEF7, lr;
	s5 =	simm.s32 $0xFFFFFFFF;
	p2 =	slt.u32 s8, $0xFFFFF086  }
0x1c: {  	p1 =	slt.u32 s9, $0xF7A;
	s5 =	simm.s32 @!p2 $0x0  }
0x1d: {  	s5 =	simm.s32 @p1 $0x1;
	p0 =	seq.s32 s7, s2  }
0x1e: {  	s7 =	smul.u32 @!p0 $0xF7A, s2;
	p2 =	seq.s32 @!p0 s5, $0x0  }
0x1f: {  	s9 =	smul.u32 $0xF7A, s1;
	s8 =	simm.s32 @!p0 $0x1BF5;
	p2 =	por !p2, p0  }
0x20: {  	[sflag:s8] =	ssyncset.s32 @!p0 $0xFFFFF086;
	s6 =	sadd.s32 @!p0 s3, s7;
	s7 =	simm.s32 @!p0 $0x108  }
0x21: {  	s3 =	sadd.s32 s3, s9;
	s6 =	sadd.s32 @!p0 $0x88, s6;
	s7 =	simm.s32 @p2 $0x1082  }
0x22: {  	[simem:s7], [sflag:s8] =	dma.local @!p0 [hbm:s6], $0xF7A  }
0x23: {  	s9 =	sor.u32 $0xD0000000, s2;
	s6 =	simm.s32 $0x108;
	_ =	swait.ge @!p0 [sflag:s8], $0x0  }
0x24: {  	s3 =	sadd.s32 $0x88, s3;
	s6 =	simm.s32 @!p1 $0x1082;
	[sflag:s4] =	ssyncset.s32 $0xFFFFF086  }
0x25: {  	[simem:s6], [sflag:s4] =	dma.local [hbm:s3], $0xF7A  }
0x26: {  	[smem:$0x3F9C] =	sst s1;
	(tag) =	ssettag s2;
	_ =	strace s9  }
0x27: {  	s1 =	sld [smem:$0x3FAC]  }
0x28: {  	s2 =	sld [smem:$0x3FAD]  }
0x29: {  	s4 =	sld [smem:$0x3FAF]  }
0x2a: {  	p0 =	seq.s32 s5, $0x0;
	s5 =	sld [smem:$0x3FB0]  }
0x2b: {  	s6 =	sld [smem:$0x3FB1]  }
0x2c: {  	s7 =	sld [smem:$0x3FB2]  }
0x2d: {  	s3 =	simm.s32 $0x108;
	s8 =	sld [smem:$0x3FB3]  }
0x2e: {  	s3 =	simm.s32 @!p0 $0x1082;
	s9 =	sld [smem:$0x3FB4]  }
0x2f: {  	lr =	sadd.s32 s0, s3;
	s0 =	sld [smem:$0x3FAB]  }
0x30: {  	s3 =	sld [smem:$0x3FAE]  }
0x31: {  	[smem:$0x3FB7] =	sst s10  }
0x32: {  	s10 =	sld [smem:$0x3FB5];
	_ =	sdelay $0x3  }
0x33: {  	p0 =	seq.s32 s10, $0x1;
	s10 =	sld [smem:$0x3FB7];
	_ =	sdelay $0x3  }
0x34: {  	[smem:$0x3FB7] =	sst s10  }
0x35: {  	s10 =	sld [smem:$0x3FB6];
	_ =	sdelay $0x3  }
0x36: {  	p1 =	seq.s32 s10, $0x1;
	s10 =	sld [smem:$0x3FB7];
	_ =	sdelay $0x3  }
0x37: {  	[smem:$0x3FB7] =	sst s10  }
0x38: {  	s10 =	sld [smem:$0x3FB8]  }
0x39: {  	_ = 	snop;
	(pc) =	sbr.ind lr, $3  }
0x3a: {  	_ = 	snop  }
0x3b: {  	_ = 	snop  }
0x3c: {  	p2 =	seq.s32 s10, $0x1;
	s10 =	sld [smem:$0x3FB7]  }
0x3d: {  	_ =	shalt  }
0x3e: {  	_ =	shalt  }
0x3f: {  	_ =	shalt  }
0x40: {  	_ =	shalt  }
0x41: {  	_ =	shalt  }
0x42: {  	_ =	shalt  }
0x43: {  	_ =	shalt  }
0x44: {  	_ =	shalt  }
0x45: {  	_ =	shalt  }
0x46: {  	_ =	shalt  }
0x47: {  	_ =	shalt  }
0x48: {  	_ =	shalt  }
0x49: {  	_ =	shalt  }
0x4a: {  	_ =	shalt  }
0x4b: {  	_ =	shalt  }
0x4c: {  	_ =	shalt  }
0x4d: {  	_ =	shalt  }
0x4e: {  	_ =	shalt  }
0x4f: {  	_ =	shalt  }
0x50: {  	_ =	shalt  }
0x51: {  	_ =	shalt  }
0x52: {  	_ =	shalt  }
0x53: {  	_ =	shalt  }
0x54: {  	_ =	shalt  }
0x55: {  	_ =	shalt  }
0x56: {  	_ =	shalt  }
0x57: {  	_ =	shalt  }
0x58: {  	_ =	shalt  }
0x59: {  	_ =	shalt  }
0x5a: {  	_ =	shalt  }
0x5b: {  	_ =	shalt  }
0x5c: {  	_ =	shalt  }
0x5d: {  	_ =	shalt  }
0x5e: {  	_ =	shalt  }
0x5f: {  	_ =	shalt  }
0x60: {  	_ =	shalt  }
0x61: {  	_ =	shalt  }
0x62: {  	_ =	shalt  }
0x63: {  	_ =	shalt  }
0x64: {  	_ =	shalt  }
0x65: {  	_ =	shalt  }
0x66: {  	_ =	shalt  }
0x67: {  	_ =	shalt  }
0x68: {  	_ =	shalt  }
0x69: {  	_ =	shalt  }
0x6a: {  	_ =	shalt  }
0x6b: {  	_ =	shalt  }
0x6c: {  	_ =	shalt  }
0x6d: {  	_ =	shalt  }
0x6e: {  	_ =	shalt  }
0x6f: {  	_ =	shalt  }
0x70: {  	_ =	shalt  }
0x71: {  	_ =	shalt  }
0x72: {  	_ =	shalt  }
0x73: {  	_ =	shalt  }
0x74: {  	_ =	shalt  }
0x75: {  	_ =	shalt  }
0x76: {  	_ =	shalt  }
0x77: {  	_ =	shalt  }
0x78: {  	_ =	shalt  }
0x79: {  	_ =	shalt  }
0x7a: {  	_ =	shalt  }
0x7b: {  	_ =	shalt  }
0x7c: {  	_ =	shalt  }
0x7d: {  	_ =	shalt  }
0x7e: {  	_ =	shalt  }
0x7f: {  	_ =	shalt  }
0x80: {  	_ =	shalt  }
0x81: {  	_ =	shalt  }
0x82: {  	_ =	shalt  }
0x83: {  	_ =	shalt  }
0x84: {  	_ =	shalt  }
0x85: {  	_ =	shalt  }
0x86: {  	_ =	shalt  }
0x87: {  	_ =	shalt  }
.Lfunc_end0:
.L_simem_size_0:
called_computation_lowered:
.L_overlay_start_0:
0x88: {  	s2 =	sld [smem:$0x3FD9]  }
0x89: {  	s3 =	sld [smem:$0x3FFE];
	_ =	sdelay $0x1  }
0x8a: {  	s1 =	srdreg.scid  }
0x8b: {  	s0 =	sand.u32 $0x1, s1  }
0x8c: {  	s17 =	sshll.u32 s0, $0xA;
	s2 =	sadd.s32 s3, s2  }
0x8d: {  	s2 =	sadd.s32 s2, s17  }
0x8e: {  	[smem:$0x3FC3] =	sst s2  }
0x8f: {  	_ = 	snop  }
0x90: {  	s2 =	sld [smem:$0x3FC9]  }
0x91: {  	s18 =	sld [smem:$0x3FD0];
	(tm) =	ssettm $0x1  }
0x92: {  	s4 =	sld [smem:$0x3FFB];
	_ =	sdelay $0x3  }
0x93: {  	_ =	strace s4  }
0x94: {  	s4 =	sld [smem:$0x3FFC];
	_ =	sdelay $0x3  }
0x95: {  	_ =	strace s4  }
0x96: {  	s4 =	sld [smem:$0x3FFD];
	_ =	sdelay $0x3  }
0x97: {  	_ =	strace s4  }
0x98: {  	_ =	strace $0x8FFFFFFF  }
0x99: {  	s19 =	sld [smem:$0x3FDB];
	_ =	sdelay $0x1  }
0x9a: {  	s5 =	simm.s32 $_scs_section_size  }
0x9b: {  	s6 =	simm.s32 $_size__tile_overlayer_lowered;
	s7 =	simm.s32 $_tile_overlayer_lowered  }
0x9c: {  	s22 =	simm.s32 $0x1BFF;
	s21 =	sshll.u32 s7, $0x1;
	s4 =	sadd.s32 s5, s19  }
0x9d: {  	s8 =	simm.s32 $0x0;
	s20 =	sshll.u32 s6, $0x1;
	s6 =	sadd.s32 s21, s4  }
0x9e: {  	[timem:s8], [sflag:s22] =	dma.local [hbm:s6], s20  }
0x9f: {  	_ =	swait.ge [sflag:s22], s20  }
0xa0: {  	s5 =	ssub.s32 $0x0, s20;
	[sflag:s22] =	ssyncset.done $0x0  }
0xa1: {  	[sflag:s22] =	ssyncadd.s32 s5;
	_ =	sdelay $0x1  }
0xa2: {  	s23 =	simm.s32 $0x1B8B  }
0xa3: {  	_ =	swait.ge [sflag:s23], $0x1  }
0xa4: {  	[sflag:s23] =	ssyncset.done $0x0  }
0xa5: {  	s25 =	simm.s32 $0x1B8E;
	s24 =	sld [smem:$0x3FFE];
	[sflag:s23] =	ssyncadd.s32 $0xFFFFFFFF  }
0xa6: {  	s26 =	simm.s32 $execute0_lowered;
	[smem:$0x3FD2] =	sst s25  }
0xa7: {  	s6 =	sshll.u32 s26, $0x1;
	_ =	strace $0x80000046;
	[dreg:$0x1] =	wrdreg $0xFFFFFFFF  }
0xa8: {  	s28 =	simm.s32 $_size_execute0_lowered;
	s4 =	sadd.s32 s4, s6;
	[dreg:$0x0] =	wrdreg $0x0  }
0xa9: {  	s6 =	sshll.u32 s28, $0x1;
	[dreg:$0x2] =	wrdreg s4  }
0xaa: {  	[dreg:$0x3] =	wrdreg s6  }
0xab: {  	[dreg:$0x4] =	wrdreg $0xC0  }
0xac: {  	_ =	task [dreg:s8], $0x5FFFF  }
0xad: {  	[dreg:$0x1] =	wrdreg $0xFFFFFFFF  }
0xae: {  	[dreg:$0x0] =	wrdreg $0x60  }
0xaf: {  	[dreg:$0x2] =	wrdreg s2  }
0xb0: {  	[dreg:$0x3] =	wrdreg s24  }
0xb1: {  	[dreg:$0x4] =	wrdreg s18  }
0xb2: {  	[dreg:$0x5] =	wrdreg $0x9  }
0xb3: {  	_ =	task.clear_ibuf [dreg:s8], $0x6FFFF;
	_ =	strace $0x90000046  }
0xb4: {  	s29 =	simm.s32 $0x9;
	_ =	strace $0x80000048  }
0xb5: {  	_ =	swait.ge [sflag:s29], $0x1  }
0xb6: {  	[sflag:s29] =	ssyncadd.s32 $0xFFFFFFFF  }
0xb7: {  	_ =	strace $0x90000048  }
0xb8: {  	_ =	sfence  }
0xb9: {  	s30 =	sld [smem:$0x0];
	_ =	sdelay $0x2  }
0xba: {  	s31 =	sshll.u32 s1, $0xD;
	s1 =	sshrl.u32 s1, $0x2  }
0xbb: {  	s3 =	sand.u32 $0x4000, s31;
	s1 =	sadd.s32 s1, s30  }
0xbc: {  	s0 =	sor.u32 s3, s0;
	s1 =	sshll.u32 s1, $0x11  }
0xbd: {  	s0 =	sor.u32 s1, s0  }
0xbe: {  	s0 =	sadd.s32 $0x8F2B, s0  }
0xbf: {  	[sflag:s0] =	ssyncadd.remote.s32 $0x1  }
0xc0: {  	_ =	sfence.sel $0xFFFF  }
0xc1: {  	[dreg:$0x0] =	wrdreg $0xFFFFFFFF;
	(pc) =	sbr.abs _section_cstart, $3  }
0xc2: {  	[dreg:$0x1] =	wrdreg $0xFFFFFFFF  }
0xc3: {  	_ =	task.clear_ibuf [dreg:s8], $0x2FFFF;
	_ =	strace $0x9FFFFFFF  }
0xc4: {  	(tm) =	ssettm $0x7FFFFFFF  }
0xc5: {  	_ =	shalt  }
tec
execute0_lowered:
.L_overlay_start_1:
0x0: {  	(tag) =	ssettag $0x1  }
0x1: {  	s1 =	stileid.u32  }
0x2: {  	p0 =	sgt.u32 s1, $0x4  }
.Ltmp0:
0x3: {  	s2 =	rddreg [dreg:$0x0];
	(pc) =	sbr.rel @p0 .LBB2_4-.Ltmp0, $4  }
0x4: {  	s4 =	rddreg [dreg:$0x1]  }
0x5: {  	s10 =	rddreg [dreg:$0x2];
	s3 =	simm.s32 $0x0  }
0x6: {  	[smem:$0x7FF] =	sst s3  }
0x7: {  	s0 =	rddreg [dreg:$0x3];
	_ =	strace $0x80000047  }
0x8: {  	s5 =	srdreg.scid  }
0x9: {  	s30 =	sshll.u32 s1, $0x1;
	s8 =	sand.u32 $0x1, s5  }
0xa: {  	s4 =	sadd.s32 $0xC00, s4;
	s11 =	sor.u32 s8, s30  }
0xb: {  	s5 =	sadd.s32 s4, s11;
	s4 =	simm.s32 $0x2  }
0xc: {  	[tilespmem:s3], [sflag:$0x2] =	stream.linear.gather [hbm4b:s5+s3], $0x8, $0x38;
	[tilespmem:$0x1080] =	vst v63  }
0xd: {  	_ =	swait.ge [sflag:s4], $0x8  }
0xe: {  	[sflag:s4] =	ssyncset.done $0x0  }
0xf: {  	[sflag:s4] =	ssyncadd.s32 $0xFFFFFFF8  }
0x10: {  	v0 =	vld.msk [tilespmem:$0x0], $0xff;
	_ =	sdelay $0x4  }
0x11: {  	v1 =	vshll.u32 v0, $0x2  }
0x12: {  	v2 =	vlaneseq.u32;
	v3 =	vand.u32 $0x7, v0;
	v1 =	vand.u32 $0xFFFFFFE0, v1  }
0x13: {  	v0 =	vand.u32 $0x7, v2;
	v2 =	vshrl.u32 v2, $0x3;
	v3 =	vor.u32 v3, v1  }
0x14: {  	v1 =	vmul.u32 $0x8, v2;
	v2 =	vperm.xlane v3, v0;
	_ =	sdelay $0x1  }
0x15: {  	v2 =	vadd.s32 v1, v2;
	_ =	sdelay $0x1  }
0x16: {  	s12 =	ssub.s32 $0x2, s8  }
0x17: {  	s13 =	sshrl.u32 s12, $0x1  }
0x18: {  	s6 =	sadd.s32 $0x100, s2;
	vm0 =	vmmov $0xffff;
	s7 =	simm.s32 $0x80;
	s12 =	ssub.s32 s12, s13  }
0x19: {  	[tilespmem:s7], [sflag:$0x1] =	stream.indirect_vreg.gather [hbm4b:s2+s3], $0x80, v2, vm0, $0xb8;
	[tilespmem:$0x1080] =	vst v63  }
0x1a: {  	s9 =	simm.s32 $0x1;
	s8 =	simm.s32 $0x880;
	s31 =	smax.u32 s12, $0x1  }
0x1b: {  	[tilespmem:s8], [sflag:$0x1] =	stream.indirect_vreg.gather [hbm4b:s6+s3], $0x80, v2, vm0, $0xb8;
	[tilespmem:$0x1080] =	vst v63  }
0x1c: {  	p0 =	sne.s32 s31, $0x1;
	_ =	swait.ge [sflag:s9], $0x1000  }
.Ltmp1:
0x1d: {  	s11 =	sshll.u32 s11, $0x9;
	[sflag:s9] =	ssyncset.done $0x0;
	(pc) =	sbr.rel @!p0 .LBB2_3-.Ltmp1, $4  }
0x1e: {  	s10 =	sadd.s32 s10, s11;
	[sflag:s9] =	ssyncadd.s32 $0xFFFFF000  }
0x1f: {  	[hbm4b:s10+s3] =	stream.linear.scatter [tilespmem:s7], [sflag:$0x2], $0x1000, $0x38;
	[tilespmem:$0x1080] =	vst v63  }
0x20: {  	_ =	swait.ge [sflag:s4], $0x1000  }
0x21: {  	s11 =	sadd.s32 $0xFFFFFFFF, s31;
	[sflag:s4] =	ssyncset.done $0x0  }
.LBB2_2:
0x22: {  	p0 =	sne.s32 s11, $0x1;
	s11 =	sadd.s32 $0xFFFFFFFF, s11;
	[sflag:s4] =	ssyncadd.s32 $0xFFFFF000  }
0x23: {  	[tilespmem:s3], [sflag:$0x2] =	stream.linear.gather [hbm4b:s5+s3], $0x8, $0x38;
	[tilespmem:$0x1080] =	vst v63  }
0x24: {  	_ =	swait.ge [sflag:s4], $0x8  }
0x25: {  	[sflag:s4] =	ssyncset.done $0x0  }
0x26: {  	[sflag:s4] =	ssyncadd.s32 $0xFFFFFFF8  }
0x27: {  	v2 =	vld.msk [tilespmem:$0x0], $0xff;
	_ =	sdelay $0x4  }
0x28: {  	v3 =	vshll.u32 v2, $0x2  }
0x29: {  	v2 =	vand.u32 $0x7, v2;
	v3 =	vand.u32 $0xFFFFFFE0, v3  }
0x2a: {  	v2 =	vor.u32 v2, v3  }
0x2b: {  	v2 =	vperm.xlane v2, v0;
	_ =	sdelay $0x1  }
0x2c: {  	v2 =	vadd.s32 v1, v2;
	_ =	sdelay $0x4  }
0x2d: {  	[tilespmem:s7], [sflag:$0x1] =	stream.indirect_vreg.gather [hbm4b:s2+s3], $0x80, v2, vm0, $0xb8;
	[tilespmem:$0x1080] =	vst v63  }
0x2e: {  	_ = 	snop  }
0x2f: {  	[tilespmem:s8], [sflag:$0x1] =	stream.indirect_vreg.gather [hbm4b:s6+s3], $0x80, v2, vm0, $0xb8;
	[tilespmem:$0x1080] =	vst v63  }
0x30: {  	_ =	swait.ge [sflag:s9], $0x1000  }
.Ltmp2:
0x31: {  	[sflag:s9] =	ssyncset.done $0x0;
	(pc) =	sbr.rel @p0 .LBB2_2-.Ltmp2, $4  }
0x32: {  	[sflag:s9] =	ssyncadd.s32 $0xFFFFF000  }
0x33: {  	[hbm4b:s10+s3] =	stream.linear.scatter [tilespmem:s7], [sflag:$0x2], $0x1000, $0x38;
	[tilespmem:$0x1080] =	vst v63  }
0x34: {  	_ =	swait.ge [sflag:s4], $0x1000  }
0x35: {  	[sflag:s4] =	ssyncset.done $0x0  }
.LBB2_3:
0x36: {  	[sflag:s4] =	ssyncadd.s32 $0xFFFFF000  }
.LBB2_4:
0x37: {  	_ =	sfence.sel $0x180000  }
0x38: {  	[bflag:$0x0] =	sbarrier.arrive $0xFFFF  }
0x39: {  	p0 =	sne.s32 s1, $0x0;
	_ =	strace $0x90000047  }
0x3a: {  	s0 =	sadd.s32 @!p0 $0x100000, s0;
	[bflag:$0x2] =	sbarrier.arrive $0xFFFF  }
0x3b: {  	[sflag:s0] =	ssyncadd.tile.s32 @!p0 $0x1;
	_ =	shalt  }
.Lfunc_end2:
_tile_overlayer_lowered:
.L_overlay_start_2:
0x3c: {  	(tag) =	ssettag $0x2  }
0x3d: {  	s0 =	rddreg [dreg:$0x0];
	s2 =	stileid.u32  }
0x3e: {  	s1 =	rddreg [dreg:$0x1];
	p0 =	sne.s32 s2, $0x0  }
0x3f: {  	s3 =	rddreg [dreg:$0x2];
	[bflag:$0x3] =	sbarrier.arrive $0xFFFF;
	s2 =	simm.s32 @!p0 $0x1C02  }
0x40: {  	[timem:s3], [sflag:s2] =	dma.local @!p0 [hbm:s0], s1  }
0x41: {  	s0 =	simm.s32 @!p0 $0x2  }
0x42: {  	_ =	swait.ge @!p0 [sflag:s0], s1  }
0x43: {  	s1 =	ssub.s32 @!p0 $0x0, s1;
	[sflag:s0] =	ssyncset.done @!p0 $0x0  }
0x44: {  	[sflag:s0] =	ssyncadd.s32 @!p0 s1  }
0x45: {  	[bflag:$0x3] =	sbarrier.arrive $0xFFFF  }
0x46: {  	_ =	shalt  }

</sc_bundles>
